<compile_context>
chip_gen: v7x
topology: tpu7x:2x2x1
jax: 0.10.2.dev20260603
libtpu: 0.0.44.dev20260713+nightly
codegen_flags: <defaults>
</compile_context>

<pallas_src>
import functools

import jax
import jax.numpy as jnp
import numpy as np
from jax import lax
from jax.experimental import pallas as pl
from jax.experimental.pallas import tpu as pltpu
from jax.experimental.pallas import tpu_sc as plsc

_SIZE = 4096
_GRID = np.float32(0.001)
_HALF = _SIZE // 2
_CLIP_LO = np.float32(-(_GRID * np.float32(_HALF)))
_CLIP_HI = np.float32(_GRID * np.float32(_HALF - 1))

_NC = 2
_NS = 16
_NW = _NC * _NS
_LANES = 16

_CHUNK = 16384


def _body(x_hbm, tab_hbm, out_hbm, tab_v, in_v, out_v):
    wid = lax.axis_index("s") * _NC + lax.axis_index("c")
    per_w = x_hbm.shape[0] // _NW
    base = wid * per_w
    nchunks = per_w // _CHUNK
    nsteps = _CHUNK // _LANES

    pltpu.sync_copy(tab_hbm, tab_v)

    def chunk_body(ci, _):
        off = base + ci * _CHUNK
        pltpu.sync_copy(x_hbm.at[pl.ds(off, _CHUNK)], in_v)

        def step(i, _):
            xs = in_v[pl.ds(i * _LANES, _LANES)]
            xc = jnp.minimum(jnp.maximum(xs, _CLIP_LO), _CLIP_HI)
            q = xc / _GRID
            t = q.astype(jnp.int32)
            tf = t.astype(jnp.float32)
            fl = jnp.where(q < tf, t - 1, t)
            frac = q - fl.astype(jnp.float32)
            j = jnp.bitwise_and(fl, _SIZE - 1)
            c_lo = plsc.load_gather(tab_v, [j])
            c_hi = plsc.load_gather(tab_v, [j + 1])
            out_v[pl.ds(i * _LANES, _LANES)] = (
                c_hi * frac + c_lo * (np.float32(1.0) - frac)
            )
            return ()

        lax.fori_loop(0, nsteps, step, ())
        pltpu.sync_copy(out_v, out_hbm.at[pl.ds(off, _CHUNK)])
        return ()

    lax.fori_loop(0, nchunks, chunk_body, ())


@jax.jit
def _run(x_flat, table):
    n = x_flat.shape[0]
    mesh = plsc.VectorSubcoreMesh(core_axis_name="c", subcore_axis_name="s")
    k = functools.partial(
        pl.kernel,
        out_type=jax.ShapeDtypeStruct((n,), jnp.float32),
        mesh=mesh,
        scratch_types=[
            pltpu.VMEM((_SIZE + 1,), jnp.float32),
            pltpu.VMEM((_CHUNK,), jnp.float32),
            pltpu.VMEM((_CHUNK,), jnp.float32),
        ],
        compiler_params=pltpu.CompilerParams(needs_layout_passes=False),
    )(_body)
    return k(x_flat, table)


def kernel(x, coefficients_vect):
    table = jnp.concatenate([coefficients_vect, coefficients_vect[:1]])
    x_flat = x.reshape(-1)
    out = _run(x_flat, table)
    return out.reshape(x.shape)

# --- scband reference (transcript-rebuilt; emitter-appended) ---
"""Pipeline reference for scband-single-bspline-9689446220060 (READ-ONLY COPY).

The authoritative reference and input builder live on the scoring server;
editing this copy changes nothing except your own understanding.
"""

import jax, jax.numpy as jnp
import numpy as np

SIZE = 4096
GRID = 0.001

def setup_inputs(seed: int = 0) -> dict:
    key = jax.random.key(seed)
    k1, k2 = jax.random.split(key)
    x = jax.random.normal(k1, (4, 1, 4096, 2048), dtype=jnp.float32)
    coefficients_vect = jax.random.normal(k2, (SIZE,), dtype=jnp.float32)
    return {"x": x, "coefficients_vect": coefficients_vect}

def reference(x, coefficients_vect):
    grid = jnp.float32(GRID)
    half = SIZE // 2
    # x_clamped = x.clamp(min=-(grid*(size//2)), max=grid*(size//2-1))
    x_clamped = jnp.clip(x, -grid * half, grid * (half - 1))
    floored_x = jnp.floor(x_clamped / grid)
    fracs = x_clamped / grid - floored_x
    # zero_knot_indexes.view(1,-1,1,1) with num_activations=1, value 0
    zero_knot = jnp.zeros((1, 1, 1, 1), dtype=jnp.float32)
    indexes = (zero_knot + floored_x).astype(jnp.int32)
    # torch indexing with negative indices wraps; match with mode='wrap'
    c_hi = jnp.take(coefficients_vect, indexes + 1, mode='wrap')
    c_lo = jnp.take(coefficients_vect, indexes, mode='wrap')
    activation_output = c_hi * fracs + c_lo * (1.0 - fracs)
    return activation_output

if __name__ == "__main__":
    import jax
    _d = setup_inputs()
    print(jax.jit(kernel)(*tuple(_d.values())))

</pallas_src>

<mosaic_0001>
#map = affine_map<(d0, d1) -> (0)>
module attributes {stable_mosaic.version = 14 : i64} {
  func.func @_body(%arg0: i32, %arg1: i32, %arg2: memref<33554432xf32, #tpu.memory_space<hbm>>, %arg3: memref<4097xf32, #tpu.memory_space<hbm>>, %arg4: memref<33554432xf32, #tpu.memory_space<hbm>>, %arg5: memref<4097xf32, #tpu.memory_space<vmem>>, %arg6: memref<16384xf32, #tpu.memory_space<vmem>>, %arg7: memref<16384xf32, #tpu.memory_space<vmem>>) attributes {dimension_semantics = [#tpu.dimension_semantics<core_parallel>, #tpu.dimension_semantics<subcore_parallel>], iteration_bounds = array<i64: 2, 16>, scalar_prefetch = 0 : i64, scratch_operands = 3 : i64, tpu.core_type = #tpu.core_type<sc_vector_subcore>, window_params = [{transform_indices = #map}, {transform_indices = #map}, {transform_indices = #map}]} {
    %mul3A = arith.constant 2 : i32
    %mul3A_0 = arith.muli %arg1, %mul3A : i32
    %add3A = arith.addi %mul3A_0, %arg0 : i32
    %mul3A_1 = arith.constant 1048576 : i32
    %mul3A_2 = arith.muli %add3A, %mul3A_1 : i32
    "tpu.region"() ({
      %run_scoped3A = tpu.sem_alloc : memref<!tpu.dma_semaphore, #tpu.memory_space<semaphore_mem>>
      tpu.enqueue_dma source(%arg3 : memref<4097xf32, #tpu.memory_space<hbm>>) target(%arg5 : memref<4097xf32, #tpu.memory_space<vmem>>) target_semaphore(%run_scoped3A : memref<!tpu.dma_semaphore, #tpu.memory_space<semaphore_mem>>)
      tpu.wait_dma2 semaphore(%run_scoped3A : memref<!tpu.dma_semaphore, #tpu.memory_space<semaphore_mem>>) src(%arg3 : memref<4097xf32, #tpu.memory_space<hbm>>) dst(%arg5 : memref<4097xf32, #tpu.memory_space<vmem>>)
      tpu.yield
    }) : () -> ()
    %scan3A = arith.constant 0 : i32
    %scan3A_3 = arith.constant 64 : i32
    %scan3A_4 = arith.addi %scan3A, %scan3A_3 : i32
    %scan3A_5 = arith.constant 1 : i32
    scf.for %scan3A_7 = %scan3A to %scan3A_4 step %scan3A_5  : i32 {
      %mul3A_8 = arith.constant 16384 : i32
      %mul3A_9 = arith.muli %scan3A_7, %mul3A_8 : i32
      %add3A_10 = arith.addi %mul3A_2, %mul3A_9 : i32
      "tpu.region"() ({
        %run_scoped3A = tpu.sem_alloc : memref<!tpu.dma_semaphore, #tpu.memory_space<semaphore_mem>>
        %dma_start3A = tpu.memref_slice %arg2[%add3A_10] : memref<33554432xf32, #tpu.memory_space<hbm>> -> memref<16384xf32, #tpu.memory_space<hbm>>
        %dma_start3A_16 = tpu.memref_slice %arg2[%add3A_10] : memref<33554432xf32, #tpu.memory_space<hbm>> -> memref<16384xf32, #tpu.memory_space<hbm>>
        tpu.enqueue_dma source(%dma_start3A_16 : memref<16384xf32, #tpu.memory_space<hbm>>) target(%arg6 : memref<16384xf32, #tpu.memory_space<vmem>>) target_semaphore(%run_scoped3A : memref<!tpu.dma_semaphore, #tpu.memory_space<semaphore_mem>>)
        %dma_wait3A = tpu.memref_slice %arg2[%add3A_10] : memref<33554432xf32, #tpu.memory_space<hbm>> -> memref<16384xf32, #tpu.memory_space<hbm>>
        %dma_wait3A_17 = tpu.memref_slice %arg2[%add3A_10] : memref<33554432xf32, #tpu.memory_space<hbm>> -> memref<16384xf32, #tpu.memory_space<hbm>>
        tpu.wait_dma2 semaphore(%run_scoped3A : memref<!tpu.dma_semaphore, #tpu.memory_space<semaphore_mem>>) src(%dma_wait3A_17 : memref<16384xf32, #tpu.memory_space<hbm>>) dst(%arg6 : memref<16384xf32, #tpu.memory_space<vmem>>)
        tpu.yield
      }) : () -> ()
      %scan3A_11 = arith.constant 0 : i32
      %scan3A_12 = arith.constant 1024 : i32
      %scan3A_13 = arith.addi %scan3A_11, %scan3A_12 : i32
      %scan3A_14 = arith.constant 1 : i32
      scf.for %scan3A_16 = %scan3A_11 to %scan3A_13 step %scan3A_14  : i32 {
        %mul3A_17 = arith.constant 16 : i32
        %mul3A_18 = arith.muli %scan3A_16, %mul3A_17 : i32
        %get3A = arith.index_cast %mul3A_18 : i32 to index
        %get3A_19 = tpu.vector_load %arg6[%get3A] {strides = array<i32>} : memref<16384xf32, #tpu.memory_space<vmem>>, vector<16xf32>,
        %max3A = arith.constant -2.048000e+00 : f32
        %max3A_20 = vector.broadcast %max3A : f32 to vector<16xf32>
        %max3A_21 = arith.maximumf %get3A_19, %max3A_20 : vector<16xf32>
        %min3A = arith.constant 2.04700017 : f32
        %min3A_22 = vector.broadcast %min3A : f32 to vector<16xf32>
        %min3A_23 = arith.minimumf %max3A_21, %min3A_22 : vector<16xf32>
        %div3A = arith.constant 1.000000e-03 : f32
        %div3A_24 = vector.broadcast %div3A : f32 to vector<16xf32>
        %div3A_25 = arith.divf %min3A_23, %div3A_24 : vector<16xf32>
        %convert_element_type3A = arith.fptosi %div3A_25 : vector<16xf32> to vector<16xi32>
        %convert_element_type3A_26 = arith.sitofp %convert_element_type3A : vector<16xi32> to vector<16xf32>
        %lt3A = arith.cmpf olt, %div3A_25, %convert_element_type3A_26 : vector<16xf32>
        %sub3A = arith.constant 1 : i32
        %sub3A_27 = vector.broadcast %sub3A : i32 to vector<16xi32>
        %sub3A_28 = arith.subi %convert_element_type3A, %sub3A_27 : vector<16xi32>
        %select_n3A = arith.select %lt3A, %sub3A_28, %convert_element_type3A : vector<16xi1>, vector<16xi32>
        %convert_element_type3A_29 = arith.sitofp %select_n3A : vector<16xi32> to vector<16xf32>
        %sub3A_30 = arith.subf %div3A_25, %convert_element_type3A_29 : vector<16xf32>
        %and3A = arith.constant 4095 : i32
        %and3A_31 = vector.broadcast %and3A : i32 to vector<16xi32>
        %and3A_32 = arith.andi %select_n3A, %and3A_31 : vector<16xi32>
        %gather3A = tpu.vector_load_idx %arg5[%and3A_32] : memref<4097xf32, #tpu.memory_space<vmem>>[vector<16xi32>], vector<16xf32>,
        %add3A_33 = arith.constant 1 : i32
        %add3A_34 = vector.broadcast %add3A_33 : i32 to vector<16xi32>
        %add3A_35 = arith.addi %and3A_32, %add3A_34 : vector<16xi32>
        %gather3A_36 = tpu.vector_load_idx %arg5[%add3A_35] : memref<4097xf32, #tpu.memory_space<vmem>>[vector<16xi32>], vector<16xf32>,
        %mul3A_37 = arith.mulf %gather3A_36, %sub3A_30 : vector<16xf32>
        %sub3A_38 = arith.constant 1.000000e+00 : f32
        %sub3A_39 = vector.broadcast %sub3A_38 : f32 to vector<16xf32>
        %sub3A_40 = arith.subf %sub3A_39, %sub3A_30 : vector<16xf32>
        %mul3A_41 = arith.mulf %gather3A, %sub3A_40 : vector<16xf32>
        %add3A_42 = arith.addf %mul3A_37, %mul3A_41 : vector<16xf32>
        %mul3A_43 = arith.constant 16 : i32
        %mul3A_44 = arith.muli %scan3A_16, %mul3A_43 : i32
        %swap3A = arith.index_cast %mul3A_44 : i32 to index
        %swap3A_45 = tpu.vector_load %arg7[%swap3A] {strides = array<i32>} : memref<16384xf32, #tpu.memory_space<vmem>>, vector<16xf32>,
        tpu.vector_store %arg7[%swap3A], %add3A_42 {strides = array<i32>} : memref<16384xf32, #tpu.memory_space<vmem>>, vector<16xf32>,
      }
      %scan3A_15 = arith.constant 1024 : i32
      "tpu.region"() ({
        %run_scoped3A = tpu.sem_alloc : memref<!tpu.dma_semaphore, #tpu.memory_space<semaphore_mem>>
        %dma_start3A = tpu.memref_slice %arg4[%add3A_10] : memref<33554432xf32, #tpu.memory_space<hbm>> -> memref<16384xf32, #tpu.memory_space<hbm>>
        %dma_start3A_16 = tpu.memref_slice %arg4[%add3A_10] : memref<33554432xf32, #tpu.memory_space<hbm>> -> memref<16384xf32, #tpu.memory_space<hbm>>
        tpu.enqueue_dma source(%arg7 : memref<16384xf32, #tpu.memory_space<vmem>>) target(%dma_start3A_16 : memref<16384xf32, #tpu.memory_space<hbm>>) target_semaphore(%run_scoped3A : memref<!tpu.dma_semaphore, #tpu.memory_space<semaphore_mem>>)
        %dma_wait3A = tpu.memref_slice %arg4[%add3A_10] : memref<33554432xf32, #tpu.memory_space<hbm>> -> memref<16384xf32, #tpu.memory_space<hbm>>
        %dma_wait3A_17 = tpu.memref_slice %arg4[%add3A_10] : memref<33554432xf32, #tpu.memory_space<hbm>> -> memref<16384xf32, #tpu.memory_space<hbm>>
        tpu.wait_dma2 semaphore(%run_scoped3A : memref<!tpu.dma_semaphore, #tpu.memory_space<semaphore_mem>>) src(%arg7 : memref<16384xf32, #tpu.memory_space<vmem>>) dst(%dma_wait3A_17 : memref<16384xf32, #tpu.memory_space<hbm>>)
        tpu.yield
      }) : () -> ()
    }
    %scan3A_6 = arith.constant 64 : i32
    return
  }
}

</mosaic_0001>

<sc_bundles>
// kernel: _run.3.cloned.1.call-start
scs
__scs_entry_jumppad:
0x0: {  	(pc) =	sbr.rel $0x88, $3  }
0x1: {  	(tag) =	ssettag $0x0;
	lr =	simm.s32 $0x1  }
0x2: {  	[smem:$0x3F9F] =	sst lr;
	_ =	strace $0xD0000000  }
0x3: {  	_ = 	snop  }
0x4: {  	_ = 	snop  }
0x5: {  	_ = 	snop  }
0x6: {  	_ = 	snop  }
0x7: {  	_ = 	snop  }
__scs_overlays_trampoline_lowered:
0x8: {  	[smem:$0x3FAE] =	sst s0  }
0x9: {  	[smem:$0x3FAF] =	sst s1  }
0xa: {  	[smem:$0x3FB0] =	sst s2  }
0xb: {  	[smem:$0x3FB1] =	sst s3  }
0xc: {  	[smem:$0x3FB2] =	sst s4  }
0xd: {  	[smem:$0x3FB3] =	sst s5  }
0xe: {  	[smem:$0x3FB4] =	sst s6  }
0xf: {  	[smem:$0x3FB5] =	sst s7  }
0x10: {  	[smem:$0x3FB6] =	sst s8  }
0x11: {  	[smem:$0x3FB7] =	sst s9;
	s0 =	simm.s32 @!p0 $0x0  }
0x12: {  	s1 =	sld [smem:$0x3F9D];
	s0 =	simm.s32 @p0 $0x1  }
0x13: {  	[smem:$0x3FB8] =	sst s0;
	s0 =	simm.s32 @!p1 $0x0  }
0x14: {  	s2 =	sld [smem:$0x3F9C];
	s0 =	simm.s32 @p1 $0x1  }
0x15: {  	[smem:$0x3FB9] =	sst s0;
	s0 =	simm.s32 @!p2 $0x0  }
0x16: {  	s3 =	sld [smem:$0x3FDB];
	s0 =	simm.s32 @p2 $0x1  }
0x17: {  	s4 =	simm.s32 $0x1BF5;
	[smem:$0x3FBB] =	sst s0  }
0x18: {  	s0 =	sld [smem:$0x3F9E];
	_ =	swait.ge [sflag:s4], $0x0  }
0x19: {  	s7 =	sld [smem:$0x3F9F]  }
0x1a: {  	s8 =	sadd.s32 $0xFFFFE003, lr  }
0x1b: {  	s9 =	sadd.s32 $0xFFFFFEF7, lr;
	s5 =	simm.s32 $0xFFFFFFFF;
	p2 =	slt.u32 s8, $0xFFFFF086  }
0x1c: {  	p1 =	slt.u32 s9, $0xF7A;
	s5 =	simm.s32 @!p2 $0x0  }
0x1d: {  	s5 =	simm.s32 @p1 $0x1;
	p0 =	seq.s32 s7, s2  }
0x1e: {  	s7 =	smul.u32 @!p0 $0xF7A, s2;
	p2 =	seq.s32 @!p0 s5, $0x0  }
0x1f: {  	s9 =	smul.u32 $0xF7A, s1;
	s8 =	simm.s32 @!p0 $0x1BF5;
	p2 =	por !p2, p0  }
0x20: {  	[sflag:s8] =	ssyncset.s32 @!p0 $0xFFFFF086;
	s6 =	sadd.s32 @!p0 s3, s7;
	s7 =	simm.s32 @!p0 $0x108  }
0x21: {  	s3 =	sadd.s32 s3, s9;
	s6 =	sadd.s32 @!p0 $0x88, s6;
	s7 =	simm.s32 @p2 $0x1082  }
0x22: {  	[simem:s7], [sflag:s8] =	dma.local @!p0 [hbm:s6], $0xF7A  }
0x23: {  	s9 =	sor.u32 $0xD0000000, s2;
	s6 =	simm.s32 $0x108;
	_ =	swait.ge @!p0 [sflag:s8], $0x0  }
0x24: {  	s3 =	sadd.s32 $0x88, s3;
	s6 =	simm.s32 @!p1 $0x1082;
	[sflag:s4] =	ssyncset.s32 $0xFFFFF086  }
0x25: {  	[simem:s6], [sflag:s4] =	dma.local [hbm:s3], $0xF7A  }
0x26: {  	[smem:$0x3F9F] =	sst s1;
	(tag) =	ssettag s2;
	_ =	strace s9  }
0x27: {  	s1 =	sld [smem:$0x3FAF]  }
0x28: {  	s2 =	sld [smem:$0x3FB0]  }
0x29: {  	s4 =	sld [smem:$0x3FB2]  }
0x2a: {  	p0 =	seq.s32 s5, $0x0;
	s5 =	sld [smem:$0x3FB3]  }
0x2b: {  	s6 =	sld [smem:$0x3FB4]  }
0x2c: {  	s7 =	sld [smem:$0x3FB5]  }
0x2d: {  	s3 =	simm.s32 $0x108;
	s8 =	sld [smem:$0x3FB6]  }
0x2e: {  	s3 =	simm.s32 @!p0 $0x1082;
	s9 =	sld [smem:$0x3FB7]  }
0x2f: {  	lr =	sadd.s32 s0, s3;
	s0 =	sld [smem:$0x3FAE]  }
0x30: {  	s3 =	sld [smem:$0x3FB1]  }
0x31: {  	[smem:$0x3FBA] =	sst s10  }
0x32: {  	s10 =	sld [smem:$0x3FB8];
	_ =	sdelay $0x3  }
0x33: {  	p0 =	seq.s32 s10, $0x1;
	s10 =	sld [smem:$0x3FBA];
	_ =	sdelay $0x3  }
0x34: {  	[smem:$0x3FBA] =	sst s10  }
0x35: {  	s10 =	sld [smem:$0x3FB9];
	_ =	sdelay $0x3  }
0x36: {  	p1 =	seq.s32 s10, $0x1;
	s10 =	sld [smem:$0x3FBA];
	_ =	sdelay $0x3  }
0x37: {  	[smem:$0x3FBA] =	sst s10  }
0x38: {  	s10 =	sld [smem:$0x3FBB]  }
0x39: {  	_ = 	snop;
	(pc) =	sbr.ind lr, $3  }
0x3a: {  	_ = 	snop  }
0x3b: {  	_ = 	snop  }
0x3c: {  	p2 =	seq.s32 s10, $0x1;
	s10 =	sld [smem:$0x3FBA]  }
0x3d: {  	_ =	shalt  }
0x3e: {  	_ =	shalt  }
0x3f: {  	_ =	shalt  }
0x40: {  	_ =	shalt  }
0x41: {  	_ =	shalt  }
0x42: {  	_ =	shalt  }
0x43: {  	_ =	shalt  }
0x44: {  	_ =	shalt  }
0x45: {  	_ =	shalt  }
0x46: {  	_ =	shalt  }
0x47: {  	_ =	shalt  }
0x48: {  	_ =	shalt  }
0x49: {  	_ =	shalt  }
0x4a: {  	_ =	shalt  }
0x4b: {  	_ =	shalt  }
0x4c: {  	_ =	shalt  }
0x4d: {  	_ =	shalt  }
0x4e: {  	_ =	shalt  }
0x4f: {  	_ =	shalt  }
0x50: {  	_ =	shalt  }
0x51: {  	_ =	shalt  }
0x52: {  	_ =	shalt  }
0x53: {  	_ =	shalt  }
0x54: {  	_ =	shalt  }
0x55: {  	_ =	shalt  }
0x56: {  	_ =	shalt  }
0x57: {  	_ =	shalt  }
0x58: {  	_ =	shalt  }
0x59: {  	_ =	shalt  }
0x5a: {  	_ =	shalt  }
0x5b: {  	_ =	shalt  }
0x5c: {  	_ =	shalt  }
0x5d: {  	_ =	shalt  }
0x5e: {  	_ =	shalt  }
0x5f: {  	_ =	shalt  }
0x60: {  	_ =	shalt  }
0x61: {  	_ =	shalt  }
0x62: {  	_ =	shalt  }
0x63: {  	_ =	shalt  }
0x64: {  	_ =	shalt  }
0x65: {  	_ =	shalt  }
0x66: {  	_ =	shalt  }
0x67: {  	_ =	shalt  }
0x68: {  	_ =	shalt  }
0x69: {  	_ =	shalt  }
0x6a: {  	_ =	shalt  }
0x6b: {  	_ =	shalt  }
0x6c: {  	_ =	shalt  }
0x6d: {  	_ =	shalt  }
0x6e: {  	_ =	shalt  }
0x6f: {  	_ =	shalt  }
0x70: {  	_ =	shalt  }
0x71: {  	_ =	shalt  }
0x72: {  	_ =	shalt  }
0x73: {  	_ =	shalt  }
0x74: {  	_ =	shalt  }
0x75: {  	_ =	shalt  }
0x76: {  	_ =	shalt  }
0x77: {  	_ =	shalt  }
0x78: {  	_ =	shalt  }
0x79: {  	_ =	shalt  }
0x7a: {  	_ =	shalt  }
0x7b: {  	_ =	shalt  }
0x7c: {  	_ =	shalt  }
0x7d: {  	_ =	shalt  }
0x7e: {  	_ =	shalt  }
0x7f: {  	_ =	shalt  }
0x80: {  	_ =	shalt  }
0x81: {  	_ =	shalt  }
0x82: {  	_ =	shalt  }
0x83: {  	_ =	shalt  }
0x84: {  	_ =	shalt  }
0x85: {  	_ =	shalt  }
0x86: {  	_ =	shalt  }
0x87: {  	_ =	shalt  }
.Lfunc_end0:
.L_simem_size_0:
called_computation_lowered:
.L_overlay_start_0:
0x88: {  	s2 =	sld [smem:$0x3FD9]  }
0x89: {  	s3 =	sld [smem:$0x3FFE];
	_ =	sdelay $0x1  }
0x8a: {  	s1 =	srdreg.scid  }
0x8b: {  	s0 =	sand.u32 $0x1, s1  }
0x8c: {  	s18 =	sshll.u32 s0, $0xA;
	s2 =	sadd.s32 s3, s2  }
0x8d: {  	s2 =	sadd.s32 s2, s18  }
0x8e: {  	[smem:$0x3FC6] =	sst s2  }
0x8f: {  	_ = 	snop  }
0x90: {  	s2 =	sld [smem:$0x3FC9]  }
0x91: {  	s19 =	sld [smem:$0x3FC8]  }
0x92: {  	s4 =	sld [smem:$0x3FD0];
	(tm) =	ssettm $0x1  }
0x93: {  	s5 =	sld [smem:$0x3FFB];
	_ =	sdelay $0x3  }
0x94: {  	_ =	strace s5  }
0x95: {  	s5 =	sld [smem:$0x3FFC];
	_ =	sdelay $0x3  }
0x96: {  	_ =	strace s5  }
0x97: {  	s5 =	sld [smem:$0x3FFD];
	_ =	sdelay $0x3  }
0x98: {  	_ =	strace s5  }
0x99: {  	_ =	strace $0x8FFFFFFF  }
0x9a: {  	s20 =	sld [smem:$0x3FDB];
	_ =	sdelay $0x1  }
0x9b: {  	s6 =	simm.s32 $_scs_section_size  }
0x9c: {  	s7 =	simm.s32 $_size__tile_overlayer_lowered;
	s8 =	simm.s32 $_tile_overlayer_lowered  }
0x9d: {  	s23 =	simm.s32 $0x1BFF;
	s22 =	sshll.u32 s8, $0x1;
	s5 =	sadd.s32 s6, s20  }
0x9e: {  	s9 =	simm.s32 $0x0;
	s21 =	sshll.u32 s7, $0x1;
	s7 =	sadd.s32 s22, s5  }
0x9f: {  	[timem:s9], [sflag:s23] =	dma.local [hbm:s7], s21  }
0xa0: {  	_ =	swait.ge [sflag:s23], s21  }
0xa1: {  	s6 =	ssub.s32 $0x0, s21;
	[sflag:s23] =	ssyncset.done $0x0  }
0xa2: {  	[sflag:s23] =	ssyncadd.s32 s6;
	_ =	sdelay $0x1  }
0xa3: {  	s24 =	simm.s32 $0x1B8B  }
0xa4: {  	_ =	swait.ge [sflag:s24], $0x1  }
0xa5: {  	[sflag:s24] =	ssyncset.done $0x0  }
0xa6: {  	s25 =	simm.s32 $0x1B8E;
	[sflag:s24] =	ssyncadd.s32 $0xFFFFFFFF  }
0xa7: {  	s26 =	simm.s32 $execute0_lowered;
	[smem:$0x3FD2] =	sst s25  }
0xa8: {  	s6 =	sshll.u32 s26, $0x1;
	_ =	strace $0x80000046;
	[dreg:$0x1] =	wrdreg $0xFFFFFFFF  }
0xa9: {  	s28 =	simm.s32 $_size_execute0_lowered;
	s5 =	sadd.s32 s5, s6;
	[dreg:$0x0] =	wrdreg $0x0  }
0xaa: {  	s6 =	sshll.u32 s28, $0x1;
	[dreg:$0x2] =	wrdreg s5  }
0xab: {  	[dreg:$0x3] =	wrdreg s6  }
0xac: {  	[dreg:$0x4] =	wrdreg $0xC0  }
0xad: {  	_ =	task [dreg:s9], $0x5FFFF  }
0xae: {  	[dreg:$0x1] =	wrdreg $0xFFFFFFFF  }
0xaf: {  	[dreg:$0x0] =	wrdreg $0x60  }
0xb0: {  	[dreg:$0x2] =	wrdreg s2  }
0xb1: {  	[dreg:$0x3] =	wrdreg s19  }
0xb2: {  	[dreg:$0x4] =	wrdreg s4  }
0xb3: {  	[dreg:$0x5] =	wrdreg $0x9  }
0xb4: {  	_ =	task.clear_ibuf [dreg:s9], $0x6FFFF;
	_ =	strace $0x90000046  }
0xb5: {  	s29 =	simm.s32 $0x9;
	_ =	strace $0x80000048  }
0xb6: {  	_ =	swait.ge [sflag:s29], $0x1  }
0xb7: {  	[sflag:s29] =	ssyncadd.s32 $0xFFFFFFFF  }
0xb8: {  	_ =	strace $0x90000048  }
0xb9: {  	_ =	sfence  }
0xba: {  	s30 =	sld [smem:$0x0];
	_ =	sdelay $0x2  }
0xbb: {  	s31 =	sshll.u32 s1, $0xD;
	s1 =	sshrl.u32 s1, $0x2  }
0xbc: {  	s3 =	sand.u32 $0x4000, s31;
	s1 =	sadd.s32 s1, s30  }
0xbd: {  	s0 =	sor.u32 s3, s0;
	s1 =	sshll.u32 s1, $0x11  }
0xbe: {  	s0 =	sor.u32 s1, s0  }
0xbf: {  	s0 =	sadd.s32 $0x8F2B, s0  }
0xc0: {  	[sflag:s0] =	ssyncadd.remote.s32 $0x1  }
0xc1: {  	_ =	sfence.sel $0xFFFF  }
0xc2: {  	[dreg:$0x0] =	wrdreg $0xFFFFFFFF;
	(pc) =	sbr.abs _section_cstart, $3  }
0xc3: {  	[dreg:$0x1] =	wrdreg $0xFFFFFFFF  }
0xc4: {  	_ =	task.clear_ibuf [dreg:s9], $0x2FFFF;
	_ =	strace $0x9FFFFFFF  }
0xc5: {  	(tm) =	ssettm $0x7FFFFFFF  }
tec
execute0_lowered:
.L_overlay_start_1:
0x0: {  	(tag) =	ssettag $0x1  }
0x1: {  	s1 =	rddreg [dreg:$0x0]  }
0x2: {  	s2 =	rddreg [dreg:$0x1]  }
0x3: {  	s3 =	rddreg [dreg:$0x2];
	s4 =	simm.s32 $0x0  }
0x4: {  	[smem:$0x7FF] =	sst s4  }
0x5: {  	s0 =	rddreg [dreg:$0x3];
	v0 =	vimm.f32 $1.000000050e-03;
	_ =	strace $0x80000047  }
0x6: {  	(erf) = vrcp.f32 v0;
	_ =	sdelay $0x3  }
0x7: {  	s5 =	srdreg.scid  }
0x8: {  	s6 =	sand.u32 $0x1, s5  }
0x9: {  	s9 =	simm.s32 $0x1080;
	s10 =	simm.s32 $0x5080;
	s7 =	ssub.s32 $0x2, s6  }
0xa: {  	s11 =	simm.s32 $0x0;
	s5 =	stileid.u32;
	s8 =	sshrl.u32 s7, $0x1  }
0xb: {  	s31 =	sshll.u32 s5, $0x12;
	s6 =	sshll.u32 s6, $0x11;
	s7 =	ssub.s32 s7, s8  }
0xc: {  	v1 =	vimm.s32 $0x0;
	s6 =	sor.u32 s6, s31;
	s8 =	simm.s32 $0x1;
	s7 =	smax.u32 s7, $0x1;
	v0 =	vpop (erf)  }
.LBB2_1:
0xd: {  	[tilespmem:s4], [sflag:$0x1] =	stream.linear.gather [hbm4b:s2+s4], $0x1080, $0x38;
	[tilespmem:$0x9080] =	vst v63  }
0xe: {  	_ =	swait.ge [sflag:s8], $0x1080  }
0xf: {  	[sflag:s8] =	ssyncset.done $0x0  }
0x10: {  	s12 =	simm.s32 $0x0;
	[sflag:s8] =	ssyncadd.s32 $0xFFFFEF80  }
.LBB2_2:
0x11: {  	s13 =	sshll.u32 s12, $0xB  }
0x12: {  	s13 =	sadd.s32 s6, s13  }
0x13: {  	s15 =	simm.s32 $0x0;
	s14 =	sadd.s32 s1, s13  }
0x14: {  	[tilespmem:s9], [sflag:$0x1] =	stream.linear.gather [hbm4b:s14+s15], $0x4000, $0x38;
	[tilespmem:$0x9080] =	vst v63  }
0x15: {  	_ =	swait.ge [sflag:s8], $0x4000  }
0x16: {  	[sflag:s8] =	ssyncset.done $0x0  }
0x17: {  	s15 =	simm.s32 $0x0;
	[sflag:s8] =	ssyncadd.s32 $0xFFFFC000  }
0x18: {  	v2 =	vld [tilespmem:s15+$0x1080];
	_ =	sdelay $0x4  }
0x19: {  	v2 =	vmax.f32 v2, $-2.048000100e+00  }
0x1a: {  	v2 =	vmin.f32 v2, $2.047000170e+00  }
0x1b: {  	v4 =	vmul.f32 v2, v0;
	_ =	sdelay $0x1  }
0x1c: {  	v2 =	vtrunc.f32 v4  }
0x1d: {  	s14 =	simm.s32 $0x10;
	v5 =	vcvt.f32.s32 v2;
	vm0 =	vlt.f32 v4, v2  }
0x1e: {  	v3 =	vld [tilespmem:s14+$0x1080];
	v2 =	vsel vm0, $0xFFFFFFFF, v1  }
0x1f: {  	v5 =	vadd.s32 v5, v2  }
0x20: {  	v7 =	vand.u32 $0xFFF, v5  }
0x21: {  	v6 =	vadd.s32 $0x1, v7;
	_ =	sdelay $0x1  }
0x22: {  	v2 =	vmax.f32 v3, $-2.048000100e+00  }
0x23: {  	v2 =	vmin.f32 v2, $2.047000170e+00  }
0x24: {  	v5 =	vcvt.s32.f32 v5;
	v2 =	vmul.f32 v2, v0  }
0x25: {  	v3 =	vld.idx.msk [tilespmem:v6+s4+$0x0], $0xffff  }
0x26: {  	v8 =	vtrunc.f32 v2;
	v6 =	vsub.f32 v4, v5;
	v5 =	vld.idx.msk [tilespmem:v7+s4+$0x0], $0xffff  }
0x27: {  	v9 =	vcvt.f32.s32 v8;
	vm15 =	vlt.f32 v2, v8  }
0x28: {  	s16 =	simm.s32 $0x20;
	v4 =	vsel vm15, $0xFFFFFFFF, v1  }
0x29: {  	s17 =	simm.s32 $0xC0;
	v7 =	vld [tilespmem:s16+$0x1080];
	v4 =	vadd.s32 v9, v4;
	v8 =	vsub.f32 $1.000000000e+00, v6  }
.LBB2_3:
0x2a: {  	p0 =	sne.s32 s17, $0xFFC0;
	v9 =	vand.u32 $0xFFF, v4  }
0x2b: {  	v3 =	vmul.f32 v6, v3;
	v10 =	vadd.s32 $0x1, v9;
	v5 =	vmul.f32 v8, v5;
	_ =	sdelay $0x1  }
0x2c: {  	v3 =	vadd.f32 v5, v3  }
0x2d: {  	v5 =	vmax.f32 v7, $-2.048000100e+00  }
0x2e: {  	v5 =	vmin.f32 v5, $2.047000170e+00;
	[tilespmem:s15+$0x5080] =	vst v3;
	s15 =	smov.u32 s14;
	s14 =	smov.u32 s16  }
0x2f: {  	v7 =	vmul.f32 v5, v0;
	v3 =	vld.idx.msk [tilespmem:v10+s4+$0x0], $0xffff  }
.Ltmp0:
0x30: {  	v4 =	vcvt.s32.f32 v4;
	v5 =	vld.idx.msk [tilespmem:v9+s4+$0x0], $0xffff;
	(pc) =	sbr.rel @p0 .LBB2_3-.Ltmp0, $4  }
0x31: {  	v6 =	vtrunc.f32 v7  }
0x32: {  	v8 =	vcvt.f32.s32 v6;
	vm0 =	vlt.f32 v7, v6;
	v6 =	vsub.f32 v2, v4;
	v2 =	vmovc v7  }
0x33: {  	s16 =	sshra.s32 s17, $0x2;
	v4 =	vsel vm0, $0xFFFFFFFF, v1  }
0x34: {  	s17 =	sadd.s32 $0x40, s17;
	v7 =	vld [tilespmem:s16+$0x1080];
	v4 =	vadd.s32 v8, v4;
	v8 =	vsub.f32 $1.000000000e+00, v6  }
0x35: {  	v9 =	vand.u32 $0xFFF, v4  }
0x36: {  	v3 =	vmul.f32 v6, v3;
	v10 =	vadd.s32 $0x1, v9;
	v5 =	vmul.f32 v8, v5;
	_ =	sdelay $0x1  }
0x37: {  	v3 =	vadd.f32 v5, v3  }
0x38: {  	v53 =	vmax.f32 v7, $-2.048000100e+00  }
0x39: {  	v5 =	vmin.f32 v53, $2.047000170e+00;
	[tilespmem:s15+$0x5080] =	vst v3  }
0x3a: {  	v55 =	vcvt.s32.f32 v4;
	v3 =	vmul.f32 v5, v0;
	v54 =	vld.idx.msk [tilespmem:v10+s4+$0x0], $0xffff  }
0x3b: {  	v56 =	vld.idx.msk [tilespmem:v9+s4+$0x0], $0xffff  }
0x3c: {  	v2 =	vsub.f32 v2, v55;
	v57 =	vtrunc.f32 v3  }
0x3d: {  	v58 =	vcvt.f32.s32 v57;
	vm0 =	vlt.f32 v3, v57  }
0x3e: {  	v60 =	vsub.f32 $1.000000000e+00, v2;
	v59 =	vsel vm0, $0xFFFFFFFF, v1  }
0x3f: {  	v4 =	vadd.s32 v58, v59  }
0x40: {  	v2 =	vmul.f32 v2, v54;
	v62 =	vmul.f32 v60, v56;
	v8 =	vand.u32 $0xFFF, v4  }
0x41: {  	v61 =	vadd.s32 $0x1, v8  }
0x42: {  	v2 =	vadd.f32 v62, v2;
	_ =	sdelay $0x1  }
0x43: {  	[tilespmem:s14+$0x5080] =	vst v2  }
0x44: {  	v4 =	vcvt.s32.f32 v4;
	v63 =	vld.idx.msk [tilespmem:v8+s4+$0x0], $0xffff  }
0x45: {  	v2 =	vld.idx.msk [tilespmem:v61+s4+$0x0], $0xffff  }
0x46: {  	v3 =	vsub.f32 v3, v4;
	_ =	sdelay $0x1  }
0x47: {  	v4 =	vsub.f32 $1.000000000e+00, v3;
	_ =	sdelay $0x1  }
0x48: {  	v2 =	vmul.f32 v3, v2;
	v3 =	vmul.f32 v4, v63;
	_ =	sdelay $0x1  }
0x49: {  	s12 =	sadd.s32 $0x1, s12;
	v2 =	vadd.f32 v3, v2  }
0x4a: {  	p0 =	sne.s32 s12, $0x40  }
.Ltmp1:
0x4b: {  	s13 =	sadd.s32 s3, s13;
	[tilespmem:s16+$0x5080] =	vst v2;
	(pc) =	sbr.rel @p0 .LBB2_2-.Ltmp1, $4  }
0x4c: {  	[hbm4b:s13+s4] =	stream.linear.scatter [tilespmem:s10], [sflag:$0x1], $0x4000, $0x38;
	[tilespmem:$0x9080] =	vst v63  }
0x4d: {  	_ =	swait.ge [sflag:s8], $0x4000  }
0x4e: {  	[sflag:s8] =	ssyncset.done $0x0  }
0x4f: {  	[sflag:s8] =	ssyncadd.s32 $0xFFFFC000  }
0x50: {  	s11 =	sadd.s32 $0x1, s11  }
0x51: {  	p0 =	sne.s32 s11, s7  }
.Ltmp2:
0x52: {  	_ = 	snop;
	(pc) =	sbr.rel @p0 .LBB2_1-.Ltmp2, $1  }
0x53: {  	_ =	sdelay $0x3  }
0x54: {  	_ =	sfence.sel $0x180000  }
0x55: {  	[bflag:$0x0] =	sbarrier.arrive $0xFFFF  }
0x56: {  	p0 =	sne.s32 s5, $0x0;
	_ =	strace $0x90000047  }
0x57: {  	s0 =	sadd.s32 @!p0 $0x100000, s0;
	[bflag:$0x2] =	sbarrier.arrive $0xFFFF  }
0x58: {  	[sflag:s0] =	ssyncadd.tile.s32 @!p0 $0x1;
	_ =	shalt  }
.Lfunc_end2:
_tile_overlayer_lowered:
.L_overlay_start_2:
0x59: {  	(tag) =	ssettag $0x2  }
0x5a: {  	s0 =	rddreg [dreg:$0x0];
	s2 =	stileid.u32  }
0x5b: {  	s1 =	rddreg [dreg:$0x1];
	p0 =	sne.s32 s2, $0x0  }
0x5c: {  	s3 =	rddreg [dreg:$0x2];
	[bflag:$0x3] =	sbarrier.arrive $0xFFFF;
	s2 =	simm.s32 @!p0 $0x1C01  }
0x5d: {  	[timem:s3], [sflag:s2] =	dma.local @!p0 [hbm:s0], s1  }
0x5e: {  	s0 =	simm.s32 @!p0 $0x1  }
0x5f: {  	_ =	swait.ge @!p0 [sflag:s0], s1  }
0x60: {  	s1 =	ssub.s32 @!p0 $0x0, s1;
	[sflag:s0] =	ssyncset.done @!p0 $0x0  }
0x61: {  	[sflag:s0] =	ssyncadd.s32 @!p0 s1  }
0x62: {  	[bflag:$0x3] =	sbarrier.arrive $0xFFFF  }
0x63: {  	_ =	shalt  }

</sc_bundles>
